<compile_context>
chip_gen: v7x
topology: tpu7x:2x2x1
jax: 0.10.2.dev20260603
libtpu: 0.0.44.dev20260713+nightly
codegen_flags: <defaults>
</compile_context>

<pallas_src>
import functools

import jax
import jax.numpy as jnp
from jax import lax
from jax.experimental import pallas as pl
from jax.experimental.pallas import tpu as pltpu
from jax.experimental.pallas import tpu_sc as plsc

DIM = 128
BATCH = 4096

NUM_CORES = 2
NUM_SUBCORES = 16
NW = NUM_CORES * NUM_SUBCORES
CHUNK = BATCH // NW
HALF = CHUNK // 2


def _body(center_hbm, id2center_hbm, doc_hbm, neg_hbm, dc_hbm, nc_hbm,
          idx_v, cid_v, rows_v, *sems):
    wid = lax.axis_index("s") * NUM_CORES + lax.axis_index("c")
    base = wid * CHUNK
    ids_refs = (doc_hbm, neg_hbm)
    out_refs = (dc_hbm, nc_hbm)
    s_stage, s_cid = sems[0:2], sems[2:4]
    s_rows, s_out = sems[4:8], sems[8:12]

    stage = [
        pltpu.async_copy(ids_refs[j].at[pl.ds(base, CHUNK)], idx_v.at[j],
                         s_stage[j])
        for j in range(2)
    ]
    cid = []
    for j in range(2):
        stage[j].wait()
        cid.append(pltpu.async_copy(id2center_hbm.at[idx_v.at[j]],
                                    cid_v.at[j], s_cid[j]))
    rows = []
    for j in range(2):
        cid[j].wait()
        for h in range(2):
            rows.append(pltpu.async_copy(
                center_hbm.at[cid_v.at[j, pl.ds(h * HALF, HALF)]],
                rows_v.at[j, h], s_rows[2 * j + h]))
    outs = []
    for j in range(2):
        for h in range(2):
            rows[2 * j + h].wait()
            outs.append(pltpu.async_copy(
                rows_v.at[j, h],
                out_refs[j].at[pl.ds(base + h * HALF, HALF)],
                s_out[2 * j + h]))
    for k in range(4):
        outs[k].wait()


@jax.jit
def _ivf_lookup(center_vecs, id2center, doc_ids, neg_ids):
    run = functools.partial(
        pl.kernel,
        out_type=(
            jax.ShapeDtypeStruct((BATCH, DIM), jnp.float32),
            jax.ShapeDtypeStruct((BATCH, DIM), jnp.float32),
        ),
        mesh=plsc.VectorSubcoreMesh(core_axis_name="c", subcore_axis_name="s"),
        scratch_types=[
            pltpu.VMEM((2, CHUNK), jnp.int32),
            pltpu.VMEM((2, CHUNK), jnp.int32),
            pltpu.VMEM((2, 2, HALF, DIM), jnp.float32),
        ] + [pltpu.SemaphoreType.DMA] * 12,
    )(_body)
    return run(center_vecs, id2center, doc_ids, neg_ids)


def kernel(center_vecs, id2center, doc_ids, neg_ids):
    return _ivf_lookup(center_vecs, id2center, doc_ids, neg_ids)

# --- scband reference (transcript-rebuilt; emitter-appended) ---
"""Pipeline reference for scband-ivfcpu-79886391706145 (READ-ONLY COPY).

The authoritative reference and input builder live on the scoring server;
editing this copy changes nothing except your own understanding.
"""

import jax, jax.numpy as jnp
import numpy as np

K_CENTERS = 65536
DIM = 128
NUM_DOCS = 1000000
BATCH = 4096


def setup_inputs(seed: int = 0) -> dict:
    key = jax.random.key(seed)
    k1, k2, k3, k4 = jax.random.split(key, 4)
    center_vecs = jax.random.normal(k1, (K_CENTERS, DIM), dtype=jnp.float32)
    id2center = jax.random.randint(k2, (NUM_DOCS,), 0, K_CENTERS, dtype=jnp.int32)
    doc_ids = jax.random.randint(k3, (BATCH,), 0, NUM_DOCS, dtype=jnp.int32)
    neg_ids = jax.random.randint(k4, (BATCH,), 0, NUM_DOCS, dtype=jnp.int32)
    return {"center_vecs": center_vecs, "id2center": id2center, "doc_ids": doc_ids, "neg_ids": neg_ids}


def reference(center_vecs, id2center, doc_ids, neg_ids):
    # merge_and_dispatch: map doc ids -> center ids (dict lookup == gather)
    dc_ids = jnp.take(id2center, doc_ids, axis=0)
    nc_ids = jnp.take(id2center, neg_ids, axis=0)
    all_ids = jnp.concatenate([dc_ids, nc_ids], axis=0)
    # batch_cids = sorted(set(all_dc_ids + all_nc_ids)); pad with the max value
    fill_val = jnp.max(all_ids)
    batch_cids = jnp.unique(all_ids, size=all_ids.shape[0], fill_value=fill_val)
    # cid2bid mapping via binary search into the sorted unique list
    batch_dc_ids = jnp.searchsorted(batch_cids, dc_ids)
    batch_nc_ids = jnp.searchsorted(batch_cids, nc_ids)
    # get_batch_centers: gather the active center vectors
    batch_center_vecs = jnp.take(center_vecs, batch_cids, axis=0)
    # select_centers: index_select into the compacted batch table
    dc_emb = jnp.take(batch_center_vecs, batch_dc_ids, axis=0)
    nc_emb = jnp.take(batch_center_vecs, batch_nc_ids, axis=0)
    return (dc_emb, nc_emb)

if __name__ == "__main__":
    import jax
    _d = setup_inputs()
    print(jax.jit(kernel)(*tuple(_d.values())))

</pallas_src>

<mosaic_0001>
#map = affine_map<(d0, d1) -> (0, 0)>
#map1 = affine_map<(d0, d1) -> (0)>
module attributes {stable_mosaic.version = 14 : i64} {
  func.func @_body(%arg0: i32, %arg1: i32, %arg2: memref<65536x128xf32, #tpu.memory_space<hbm>>, %arg3: memref<1000000xi32, #tpu.memory_space<hbm>>, %arg4: memref<4096xi32, #tpu.memory_space<hbm>>, %arg5: memref<4096xi32, #tpu.memory_space<hbm>>, %arg6: memref<4096x128xf32, #tpu.memory_space<hbm>>, %arg7: memref<4096x128xf32, #tpu.memory_space<hbm>>, %arg8: memref<2x128xi32, #tpu.memory_space<vmem>>, %arg9: memref<2x128xi32, #tpu.memory_space<vmem>>, %arg10: memref<2x2x64x128xf32, #tpu.memory_space<vmem>>, %arg11: memref<!tpu.dma_semaphore, #tpu.memory_space<semaphore_mem>>, %arg12: memref<!tpu.dma_semaphore, #tpu.memory_space<semaphore_mem>>, %arg13: memref<!tpu.dma_semaphore, #tpu.memory_space<semaphore_mem>>, %arg14: memref<!tpu.dma_semaphore, #tpu.memory_space<semaphore_mem>>, %arg15: memref<!tpu.dma_semaphore, #tpu.memory_space<semaphore_mem>>, %arg16: memref<!tpu.dma_semaphore, #tpu.memory_space<semaphore_mem>>, %arg17: memref<!tpu.dma_semaphore, #tpu.memory_space<semaphore_mem>>, %arg18: memref<!tpu.dma_semaphore, #tpu.memory_space<semaphore_mem>>, %arg19: memref<!tpu.dma_semaphore, #tpu.memory_space<semaphore_mem>>, %arg20: memref<!tpu.dma_semaphore, #tpu.memory_space<semaphore_mem>>, %arg21: memref<!tpu.dma_semaphore, #tpu.memory_space<semaphore_mem>>, %arg22: memref<!tpu.dma_semaphore, #tpu.memory_space<semaphore_mem>>) attributes {dimension_semantics = [#tpu.dimension_semantics<core_parallel>, #tpu.dimension_semantics<subcore_parallel>], iteration_bounds = array<i64: 2, 16>, scalar_prefetch = 0 : i64, scratch_operands = 15 : i64, tpu.core_type = #tpu.core_type<sc_vector_subcore>, window_params = [{transform_indices = #map}, {transform_indices = #map1}, {transform_indices = #map1}, {transform_indices = #map1}, {transform_indices = #map}, {transform_indices = #map}]} {
    %mul3A = arith.constant 2 : i32
    %mul3A_0 = arith.muli %arg1, %mul3A : i32
    %add3A = arith.addi %mul3A_0, %arg0 : i32
    %mul3A_1 = arith.constant 128 : i32
    %mul3A_2 = arith.muli %add3A, %mul3A_1 : i32
    %dma_start3A = arith.constant 0 : i32
    %dma_start3A_3 = arith.constant 0 : i32
    %dma_start3A_4 = tpu.memref_slice %arg8[%dma_start3A, %dma_start3A_3] : memref<2x128xi32, #tpu.memory_space<vmem>> -> memref<1x128xi32, #tpu.memory_space<vmem>>
    %dma_start3A_5 = tpu.memref_squeeze %dma_start3A_4 : memref<1x128xi32, #tpu.memory_space<vmem>> -> memref<128xi32, #tpu.memory_space<vmem>>
    %dma_start3A_6 = tpu.memref_slice %arg4[%mul3A_2] : memref<4096xi32, #tpu.memory_space<hbm>> -> memref<128xi32, #tpu.memory_space<hbm>>
    %dma_start3A_7 = arith.constant 0 : i32
    %dma_start3A_8 = tpu.memref_slice %arg8[%dma_start3A, %dma_start3A_7] : memref<2x128xi32, #tpu.memory_space<vmem>> -> memref<1x128xi32, #tpu.memory_space<vmem>>
    %dma_start3A_9 = tpu.memref_squeeze %dma_start3A_8 : memref<1x128xi32, #tpu.memory_space<vmem>> -> memref<128xi32, #tpu.memory_space<vmem>>
    %dma_start3A_10 = tpu.memref_slice %arg4[%mul3A_2] : memref<4096xi32, #tpu.memory_space<hbm>> -> memref<128xi32, #tpu.memory_space<hbm>>
    tpu.enqueue_dma source(%dma_start3A_10 : memref<128xi32, #tpu.memory_space<hbm>>) target(%dma_start3A_9 : memref<128xi32, #tpu.memory_space<vmem>>) target_semaphore(%arg11 : memref<!tpu.dma_semaphore, #tpu.memory_space<semaphore_mem>>)
    %dma_start3A_11 = arith.constant 1 : i32
    %dma_start3A_12 = arith.constant 0 : i32
    %dma_start3A_13 = tpu.memref_slice %arg8[%dma_start3A_11, %dma_start3A_12] : memref<2x128xi32, #tpu.memory_space<vmem>> -> memref<1x128xi32, #tpu.memory_space<vmem>>
    %dma_start3A_14 = tpu.memref_squeeze %dma_start3A_13 : memref<1x128xi32, #tpu.memory_space<vmem>> -> memref<128xi32, #tpu.memory_space<vmem>>
    %dma_start3A_15 = tpu.memref_slice %arg5[%mul3A_2] : memref<4096xi32, #tpu.memory_space<hbm>> -> memref<128xi32, #tpu.memory_space<hbm>>
    %dma_start3A_16 = arith.constant 0 : i32
    %dma_start3A_17 = tpu.memref_slice %arg8[%dma_start3A_11, %dma_start3A_16] : memref<2x128xi32, #tpu.memory_space<vmem>> -> memref<1x128xi32, #tpu.memory_space<vmem>>
    %dma_start3A_18 = tpu.memref_squeeze %dma_start3A_17 : memref<1x128xi32, #tpu.memory_space<vmem>> -> memref<128xi32, #tpu.memory_space<vmem>>
    %dma_start3A_19 = tpu.memref_slice %arg5[%mul3A_2] : memref<4096xi32, #tpu.memory_space<hbm>> -> memref<128xi32, #tpu.memory_space<hbm>>
    tpu.enqueue_dma source(%dma_start3A_19 : memref<128xi32, #tpu.memory_space<hbm>>) target(%dma_start3A_18 : memref<128xi32, #tpu.memory_space<vmem>>) target_semaphore(%arg12 : memref<!tpu.dma_semaphore, #tpu.memory_space<semaphore_mem>>)
    %dma_wait3A = arith.constant 0 : i32
    %dma_wait3A_20 = arith.constant 0 : i32
    %dma_wait3A_21 = tpu.memref_slice %arg8[%dma_wait3A, %dma_wait3A_20] : memref<2x128xi32, #tpu.memory_space<vmem>> -> memref<1x128xi32, #tpu.memory_space<vmem>>
    %dma_wait3A_22 = tpu.memref_squeeze %dma_wait3A_21 : memref<1x128xi32, #tpu.memory_space<vmem>> -> memref<128xi32, #tpu.memory_space<vmem>>
    %dma_wait3A_23 = tpu.memref_slice %arg4[%mul3A_2] : memref<4096xi32, #tpu.memory_space<hbm>> -> memref<128xi32, #tpu.memory_space<hbm>>
    %dma_wait3A_24 = arith.constant 0 : i32
    %dma_wait3A_25 = tpu.memref_slice %arg8[%dma_wait3A, %dma_wait3A_24] : memref<2x128xi32, #tpu.memory_space<vmem>> -> memref<1x128xi32, #tpu.memory_space<vmem>>
    %dma_wait3A_26 = tpu.memref_squeeze %dma_wait3A_25 : memref<1x128xi32, #tpu.memory_space<vmem>> -> memref<128xi32, #tpu.memory_space<vmem>>
    %dma_wait3A_27 = tpu.memref_slice %arg4[%mul3A_2] : memref<4096xi32, #tpu.memory_space<hbm>> -> memref<128xi32, #tpu.memory_space<hbm>>
    tpu.wait_dma2 semaphore(%arg11 : memref<!tpu.dma_semaphore, #tpu.memory_space<semaphore_mem>>) src(%dma_wait3A_27 : memref<128xi32, #tpu.memory_space<hbm>>) dst(%dma_wait3A_26 : memref<128xi32, #tpu.memory_space<vmem>>)
    %dma_start3A_28 = arith.constant 0 : i32
    %dma_start3A_29 = arith.constant 0 : i32
    %dma_start3A_30 = arith.constant 0 : i32
    %dma_start3A_31 = tpu.memref_slice %arg9[%dma_start3A_29, %dma_start3A_30] : memref<2x128xi32, #tpu.memory_space<vmem>> -> memref<1x128xi32, #tpu.memory_space<vmem>>
    %dma_start3A_32 = tpu.memref_squeeze %dma_start3A_31 : memref<1x128xi32, #tpu.memory_space<vmem>> -> memref<128xi32, #tpu.memory_space<vmem>>
    %dma_start3A_33 = arith.constant 0 : i32
    %dma_start3A_34 = tpu.memref_slice %arg8[%dma_start3A_28, %dma_start3A_33] : memref<2x128xi32, #tpu.memory_space<vmem>> -> memref<1x128xi32, #tpu.memory_space<vmem>>
    %dma_start3A_35 = tpu.memref_squeeze %dma_start3A_34 : memref<1x128xi32, #tpu.memory_space<vmem>> -> memref<128xi32, #tpu.memory_space<vmem>>
    %dma_start3A_36 = arith.constant 0 : i32
    %dma_start3A_37 = tpu.memref_slice %arg3[%dma_start3A_36] : memref<1000000xi32, #tpu.memory_space<hbm>> -> memref<1000000xi32, #tpu.memory_space<hbm>>
    tpu.enqueue_indirect_dma source(%dma_start3A_37 : memref<1000000xi32, #tpu.memory_space<hbm>>) target(%dma_start3A_32 : memref<128xi32, #tpu.memory_space<vmem>>) offsets(%dma_start3A_35 : memref<128xi32, #tpu.memory_space<vmem>>) semaphore(%arg13 : memref<!tpu.dma_semaphore, #tpu.memory_space<semaphore_mem>>)
    %dma_wait3A_38 = arith.constant 1 : i32
    %dma_wait3A_39 = arith.constant 0 : i32
    %dma_wait3A_40 = tpu.memref_slice %arg8[%dma_wait3A_38, %dma_wait3A_39] : memref<2x128xi32, #tpu.memory_space<vmem>> -> memref<1x128xi32, #tpu.memory_space<vmem>>
    %dma_wait3A_41 = tpu.memref_squeeze %dma_wait3A_40 : memref<1x128xi32, #tpu.memory_space<vmem>> -> memref<128xi32, #tpu.memory_space<vmem>>
    %dma_wait3A_42 = tpu.memref_slice %arg5[%mul3A_2] : memref<4096xi32, #tpu.memory_space<hbm>> -> memref<128xi32, #tpu.memory_space<hbm>>
    %dma_wait3A_43 = arith.constant 0 : i32
    %dma_wait3A_44 = tpu.memref_slice %arg8[%dma_wait3A_38, %dma_wait3A_43] : memref<2x128xi32, #tpu.memory_space<vmem>> -> memref<1x128xi32, #tpu.memory_space<vmem>>
    %dma_wait3A_45 = tpu.memref_squeeze %dma_wait3A_44 : memref<1x128xi32, #tpu.memory_space<vmem>> -> memref<128xi32, #tpu.memory_space<vmem>>
    %dma_wait3A_46 = tpu.memref_slice %arg5[%mul3A_2] : memref<4096xi32, #tpu.memory_space<hbm>> -> memref<128xi32, #tpu.memory_space<hbm>>
    tpu.wait_dma2 semaphore(%arg12 : memref<!tpu.dma_semaphore, #tpu.memory_space<semaphore_mem>>) src(%dma_wait3A_46 : memref<128xi32, #tpu.memory_space<hbm>>) dst(%dma_wait3A_45 : memref<128xi32, #tpu.memory_space<vmem>>)
    %dma_start3A_47 = arith.constant 1 : i32
    %dma_start3A_48 = arith.constant 1 : i32
    %dma_start3A_49 = arith.constant 0 : i32
    %dma_start3A_50 = tpu.memref_slice %arg9[%dma_start3A_48, %dma_start3A_49] : memref<2x128xi32, #tpu.memory_space<vmem>> -> memref<1x128xi32, #tpu.memory_space<vmem>>
    %dma_start3A_51 = tpu.memref_squeeze %dma_start3A_50 : memref<1x128xi32, #tpu.memory_space<vmem>> -> memref<128xi32, #tpu.memory_space<vmem>>
    %dma_start3A_52 = arith.constant 0 : i32
    %dma_start3A_53 = tpu.memref_slice %arg8[%dma_start3A_47, %dma_start3A_52] : memref<2x128xi32, #tpu.memory_space<vmem>> -> memref<1x128xi32, #tpu.memory_space<vmem>>
    %dma_start3A_54 = tpu.memref_squeeze %dma_start3A_53 : memref<1x128xi32, #tpu.memory_space<vmem>> -> memref<128xi32, #tpu.memory_space<vmem>>
    %dma_start3A_55 = arith.constant 0 : i32
    %dma_start3A_56 = tpu.memref_slice %arg3[%dma_start3A_55] : memref<1000000xi32, #tpu.memory_space<hbm>> -> memref<1000000xi32, #tpu.memory_space<hbm>>
    tpu.enqueue_indirect_dma source(%dma_start3A_56 : memref<1000000xi32, #tpu.memory_space<hbm>>) target(%dma_start3A_51 : memref<128xi32, #tpu.memory_space<vmem>>) offsets(%dma_start3A_54 : memref<128xi32, #tpu.memory_space<vmem>>) semaphore(%arg14 : memref<!tpu.dma_semaphore, #tpu.memory_space<semaphore_mem>>)
    %dma_wait3A_57 = arith.constant 0 : i32
    %dma_wait3A_58 = arith.constant 0 : i32
    %dma_wait3A_59 = arith.constant 0 : i32
    %dma_wait3A_60 = tpu.memref_slice %arg9[%dma_wait3A_58, %dma_wait3A_59] : memref<2x128xi32, #tpu.memory_space<vmem>> -> memref<1x128xi32, #tpu.memory_space<vmem>>
    %dma_wait3A_61 = tpu.memref_squeeze %dma_wait3A_60 : memref<1x128xi32, #tpu.memory_space<vmem>> -> memref<128xi32, #tpu.memory_space<vmem>>
    %dma_wait3A_62 = arith.constant 0 : i32
    %dma_wait3A_63 = tpu.memref_slice %arg8[%dma_wait3A_57, %dma_wait3A_62] : memref<2x128xi32, #tpu.memory_space<vmem>> -> memref<1x128xi32, #tpu.memory_space<vmem>>
    %dma_wait3A_64 = tpu.memref_squeeze %dma_wait3A_63 : memref<1x128xi32, #tpu.memory_space<vmem>> -> memref<128xi32, #tpu.memory_space<vmem>>
    %dma_wait3A_65 = arith.constant 0 : i32
    %dma_wait3A_66 = tpu.memref_slice %arg3[%dma_wait3A_65] : memref<1000000xi32, #tpu.memory_space<hbm>> -> memref<1000000xi32, #tpu.memory_space<hbm>>
    tpu.wait_indirect_dma semaphore(%arg13 : memref<!tpu.dma_semaphore, #tpu.memory_space<semaphore_mem>>) src(%dma_wait3A_66 : memref<1000000xi32, #tpu.memory_space<hbm>>) dst(%dma_wait3A_61 : memref<128xi32, #tpu.memory_space<vmem>>)
    %dma_start3A_67 = arith.constant 0 : i32
    %dma_start3A_68 = arith.constant 0 : i32
    %dma_start3A_69 = arith.constant 0 : i32
    %dma_start3A_70 = arith.constant 0 : i32
    %dma_start3A_71 = arith.constant 0 : i32
    %dma_start3A_72 = tpu.memref_slice %arg10[%dma_start3A_68, %dma_start3A_69, %dma_start3A_70, %dma_start3A_71] : memref<2x2x64x128xf32, #tpu.memory_space<vmem>> -> memref<1x1x64x128xf32, #tpu.memory_space<vmem>>
    %dma_start3A_73 = tpu.memref_squeeze %dma_start3A_72 : memref<1x1x64x128xf32, #tpu.memory_space<vmem>> -> memref<64x128xf32, #tpu.memory_space<vmem>>
    %dma_start3A_74 = arith.constant 0 : i32
    %dma_start3A_75 = tpu.memref_slice %arg9[%dma_start3A_67, %dma_start3A_74] : memref<2x128xi32, #tpu.memory_space<vmem>> -> memref<1x64xi32, #tpu.memory_space<vmem>>
    %dma_start3A_76 = tpu.memref_squeeze %dma_start3A_75 : memref<1x64xi32, #tpu.memory_space<vmem>> -> memref<64xi32, #tpu.memory_space<vmem>>
    %dma_start3A_77 = arith.constant 0 : i32
    %dma_start3A_78 = arith.constant 0 : i32
    %dma_start3A_79 = tpu.memref_slice %arg2[%dma_start3A_77, %dma_start3A_78] : memref<65536x128xf32, #tpu.memory_space<hbm>> -> memref<65536x128xf32, #tpu.memory_space<hbm>>
    tpu.enqueue_indirect_dma source(%dma_start3A_79 : memref<65536x128xf32, #tpu.memory_space<hbm>>) target(%dma_start3A_73 : memref<64x128xf32, #tpu.memory_space<vmem>>) offsets(%dma_start3A_76 : memref<64xi32, #tpu.memory_space<vmem>>) semaphore(%arg15 : memref<!tpu.dma_semaphore, #tpu.memory_space<semaphore_mem>>)
    %dma_start3A_80 = arith.constant 0 : i32
    %dma_start3A_81 = arith.constant 0 : i32
    %dma_start3A_82 = arith.constant 1 : i32
    %dma_start3A_83 = arith.constant 0 : i32
    %dma_start3A_84 = arith.constant 0 : i32
    %dma_start3A_85 = tpu.memref_slice %arg10[%dma_start3A_81, %dma_start3A_82, %dma_start3A_83, %dma_start3A_84] : memref<2x2x64x128xf32, #tpu.memory_space<vmem>> -> memref<1x1x64x128xf32, #tpu.memory_space<vmem>>
    %dma_start3A_86 = tpu.memref_squeeze %dma_start3A_85 : memref<1x1x64x128xf32, #tpu.memory_space<vmem>> -> memref<64x128xf32, #tpu.memory_space<vmem>>
    %dma_start3A_87 = arith.constant 64 : i32
    %dma_start3A_88 = tpu.memref_slice %arg9[%dma_start3A_80, %dma_start3A_87] : memref<2x128xi32, #tpu.memory_space<vmem>> -> memref<1x64xi32, #tpu.memory_space<vmem>>
    %dma_start3A_89 = tpu.memref_squeeze %dma_start3A_88 : memref<1x64xi32, #tpu.memory_space<vmem>> -> memref<64xi32, #tpu.memory_space<vmem>>
    %dma_start3A_90 = arith.constant 0 : i32
    %dma_start3A_91 = arith.constant 0 : i32
    %dma_start3A_92 = tpu.memref_slice %arg2[%dma_start3A_90, %dma_start3A_91] : memref<65536x128xf32, #tpu.memory_space<hbm>> -> memref<65536x128xf32, #tpu.memory_space<hbm>>
    tpu.enqueue_indirect_dma source(%dma_start3A_92 : memref<65536x128xf32, #tpu.memory_space<hbm>>) target(%dma_start3A_86 : memref<64x128xf32, #tpu.memory_space<vmem>>) offsets(%dma_start3A_89 : memref<64xi32, #tpu.memory_space<vmem>>) semaphore(%arg16 : memref<!tpu.dma_semaphore, #tpu.memory_space<semaphore_mem>>)
    %dma_wait3A_93 = arith.constant 1 : i32
    %dma_wait3A_94 = arith.constant 1 : i32
    %dma_wait3A_95 = arith.constant 0 : i32
    %dma_wait3A_96 = tpu.memref_slice %arg9[%dma_wait3A_94, %dma_wait3A_95] : memref<2x128xi32, #tpu.memory_space<vmem>> -> memref<1x128xi32, #tpu.memory_space<vmem>>
    %dma_wait3A_97 = tpu.memref_squeeze %dma_wait3A_96 : memref<1x128xi32, #tpu.memory_space<vmem>> -> memref<128xi32, #tpu.memory_space<vmem>>
    %dma_wait3A_98 = arith.constant 0 : i32
    %dma_wait3A_99 = tpu.memref_slice %arg8[%dma_wait3A_93, %dma_wait3A_98] : memref<2x128xi32, #tpu.memory_space<vmem>> -> memref<1x128xi32, #tpu.memory_space<vmem>>
    %dma_wait3A_100 = tpu.memref_squeeze %dma_wait3A_99 : memref<1x128xi32, #tpu.memory_space<vmem>> -> memref<128xi32, #tpu.memory_space<vmem>>
    %dma_wait3A_101 = arith.constant 0 : i32
    %dma_wait3A_102 = tpu.memref_slice %arg3[%dma_wait3A_101] : memref<1000000xi32, #tpu.memory_space<hbm>> -> memref<1000000xi32, #tpu.memory_space<hbm>>
    tpu.wait_indirect_dma semaphore(%arg14 : memref<!tpu.dma_semaphore, #tpu.memory_space<semaphore_mem>>) src(%dma_wait3A_102 : memref<1000000xi32, #tpu.memory_space<hbm>>) dst(%dma_wait3A_97 : memref<128xi32, #tpu.memory_space<vmem>>)
    %dma_start3A_103 = arith.constant 1 : i32
    %dma_start3A_104 = arith.constant 1 : i32
    %dma_start3A_105 = arith.constant 0 : i32
    %dma_start3A_106 = arith.constant 0 : i32
    %dma_start3A_107 = arith.constant 0 : i32
    %dma_start3A_108 = tpu.memref_slice %arg10[%dma_start3A_104, %dma_start3A_105, %dma_start3A_106, %dma_start3A_107] : memref<2x2x64x128xf32, #tpu.memory_space<vmem>> -> memref<1x1x64x128xf32, #tpu.memory_space<vmem>>
    %dma_start3A_109 = tpu.memref_squeeze %dma_start3A_108 : memref<1x1x64x128xf32, #tpu.memory_space<vmem>> -> memref<64x128xf32, #tpu.memory_space<vmem>>
    %dma_start3A_110 = arith.constant 0 : i32
    %dma_start3A_111 = tpu.memref_slice %arg9[%dma_start3A_103, %dma_start3A_110] : memref<2x128xi32, #tpu.memory_space<vmem>> -> memref<1x64xi32, #tpu.memory_space<vmem>>
    %dma_start3A_112 = tpu.memref_squeeze %dma_start3A_111 : memref<1x64xi32, #tpu.memory_space<vmem>> -> memref<64xi32, #tpu.memory_space<vmem>>
    %dma_start3A_113 = arith.constant 0 : i32
    %dma_start3A_114 = arith.constant 0 : i32
    %dma_start3A_115 = tpu.memref_slice %arg2[%dma_start3A_113, %dma_start3A_114] : memref<65536x128xf32, #tpu.memory_space<hbm>> -> memref<65536x128xf32, #tpu.memory_space<hbm>>
    tpu.enqueue_indirect_dma source(%dma_start3A_115 : memref<65536x128xf32, #tpu.memory_space<hbm>>) target(%dma_start3A_109 : memref<64x128xf32, #tpu.memory_space<vmem>>) offsets(%dma_start3A_112 : memref<64xi32, #tpu.memory_space<vmem>>) semaphore(%arg17 : memref<!tpu.dma_semaphore, #tpu.memory_space<semaphore_mem>>)
    %dma_start3A_116 = arith.constant 1 : i32
    %dma_start3A_117 = arith.constant 1 : i32
    %dma_start3A_118 = arith.constant 1 : i32
    %dma_start3A_119 = arith.constant 0 : i32
    %dma_start3A_120 = arith.constant 0 : i32
    %dma_start3A_121 = tpu.memref_slice %arg10[%dma_start3A_117, %dma_start3A_118, %dma_start3A_119, %dma_start3A_120] : memref<2x2x64x128xf32, #tpu.memory_space<vmem>> -> memref<1x1x64x128xf32, #tpu.memory_space<vmem>>
    %dma_start3A_122 = tpu.memref_squeeze %dma_start3A_121 : memref<1x1x64x128xf32, #tpu.memory_space<vmem>> -> memref<64x128xf32, #tpu.memory_space<vmem>>
    %dma_start3A_123 = arith.constant 64 : i32
    %dma_start3A_124 = tpu.memref_slice %arg9[%dma_start3A_116, %dma_start3A_123] : memref<2x128xi32, #tpu.memory_space<vmem>> -> memref<1x64xi32, #tpu.memory_space<vmem>>
    %dma_start3A_125 = tpu.memref_squeeze %dma_start3A_124 : memref<1x64xi32, #tpu.memory_space<vmem>> -> memref<64xi32, #tpu.memory_space<vmem>>
    %dma_start3A_126 = arith.constant 0 : i32
    %dma_start3A_127 = arith.constant 0 : i32
    %dma_start3A_128 = tpu.memref_slice %arg2[%dma_start3A_126, %dma_start3A_127] : memref<65536x128xf32, #tpu.memory_space<hbm>> -> memref<65536x128xf32, #tpu.memory_space<hbm>>
    tpu.enqueue_indirect_dma source(%dma_start3A_128 : memref<65536x128xf32, #tpu.memory_space<hbm>>) target(%dma_start3A_122 : memref<64x128xf32, #tpu.memory_space<vmem>>) offsets(%dma_start3A_125 : memref<64xi32, #tpu.memory_space<vmem>>) semaphore(%arg18 : memref<!tpu.dma_semaphore, #tpu.memory_space<semaphore_mem>>)
    %dma_wait3A_129 = arith.constant 0 : i32
    %dma_wait3A_130 = arith.constant 0 : i32
    %dma_wait3A_131 = arith.constant 0 : i32
    %dma_wait3A_132 = arith.constant 0 : i32
    %dma_wait3A_133 = arith.constant 0 : i32
    %dma_wait3A_134 = tpu.memref_slice %arg10[%dma_wait3A_130, %dma_wait3A_131, %dma_wait3A_132, %dma_wait3A_133] : memref<2x2x64x128xf32, #tpu.memory_space<vmem>> -> memref<1x1x64x128xf32, #tpu.memory_space<vmem>>
    %dma_wait3A_135 = tpu.memref_squeeze %dma_wait3A_134 : memref<1x1x64x128xf32, #tpu.memory_space<vmem>> -> memref<64x128xf32, #tpu.memory_space<vmem>>
    %dma_wait3A_136 = arith.constant 0 : i32
    %dma_wait3A_137 = tpu.memref_slice %arg9[%dma_wait3A_129, %dma_wait3A_136] : memref<2x128xi32, #tpu.memory_space<vmem>> -> memref<1x64xi32, #tpu.memory_space<vmem>>
    %dma_wait3A_138 = tpu.memref_squeeze %dma_wait3A_137 : memref<1x64xi32, #tpu.memory_space<vmem>> -> memref<64xi32, #tpu.memory_space<vmem>>
    %dma_wait3A_139 = arith.constant 0 : i32
    %dma_wait3A_140 = arith.constant 0 : i32
    %dma_wait3A_141 = tpu.memref_slice %arg2[%dma_wait3A_139, %dma_wait3A_140] : memref<65536x128xf32, #tpu.memory_space<hbm>> -> memref<65536x128xf32, #tpu.memory_space<hbm>>
    tpu.wait_indirect_dma semaphore(%arg15 : memref<!tpu.dma_semaphore, #tpu.memory_space<semaphore_mem>>) src(%dma_wait3A_141 : memref<65536x128xf32, #tpu.memory_space<hbm>>) dst(%dma_wait3A_135 : memref<64x128xf32, #tpu.memory_space<vmem>>)
    %add3A_142 = arith.constant 0 : i32
    %add3A_143 = arith.addi %mul3A_2, %add3A_142 : i32
    %dma_start3A_144 = arith.constant 0 : i32
    %dma_start3A_145 = arith.constant 0 : i32
    %dma_start3A_146 = arith.constant 0 : i32
    %dma_start3A_147 = arith.constant 0 : i32
    %dma_start3A_148 = tpu.memref_slice %arg10[%dma_start3A_144, %dma_start3A_145, %dma_start3A_146, %dma_start3A_147] : memref<2x2x64x128xf32, #tpu.memory_space<vmem>> -> memref<1x1x64x128xf32, #tpu.memory_space<vmem>>
    %dma_start3A_149 = tpu.memref_squeeze %dma_start3A_148 : memref<1x1x64x128xf32, #tpu.memory_space<vmem>> -> memref<64x128xf32, #tpu.memory_space<vmem>>
    %dma_start3A_150 = arith.constant 0 : i32
    %dma_start3A_151 = tpu.memref_slice %arg6[%add3A_143, %dma_start3A_150] : memref<4096x128xf32, #tpu.memory_space<hbm>> -> memref<64x128xf32, #tpu.memory_space<hbm>>
    %dma_start3A_152 = arith.constant 0 : i32
    %dma_start3A_153 = tpu.memref_slice %arg6[%add3A_143, %dma_start3A_152] : memref<4096x128xf32, #tpu.memory_space<hbm>> -> memref<64x128xf32, #tpu.memory_space<hbm>>
    %dma_start3A_154 = arith.constant 0 : i32
    %dma_start3A_155 = arith.constant 0 : i32
    %dma_start3A_156 = tpu.memref_slice %arg10[%dma_start3A_144, %dma_start3A_145, %dma_start3A_154, %dma_start3A_155] : memref<2x2x64x128xf32, #tpu.memory_space<vmem>> -> memref<1x1x64x128xf32, #tpu.memory_space<vmem>>
    %dma_start3A_157 = tpu.memref_squeeze %dma_start3A_156 : memref<1x1x64x128xf32, #tpu.memory_space<vmem>> -> memref<64x128xf32, #tpu.memory_space<vmem>>
    tpu.enqueue_dma source(%dma_start3A_157 : memref<64x128xf32, #tpu.memory_space<vmem>>) target(%dma_start3A_153 : memref<64x128xf32, #tpu.memory_space<hbm>>) target_semaphore(%arg19 : memref<!tpu.dma_semaphore, #tpu.memory_space<semaphore_mem>>)
    %dma_wait3A_158 = arith.constant 0 : i32
    %dma_wait3A_159 = arith.constant 0 : i32
    %dma_wait3A_160 = arith.constant 1 : i32
    %dma_wait3A_161 = arith.constant 0 : i32
    %dma_wait3A_162 = arith.constant 0 : i32
    %dma_wait3A_163 = tpu.memref_slice %arg10[%dma_wait3A_159, %dma_wait3A_160, %dma_wait3A_161, %dma_wait3A_162] : memref<2x2x64x128xf32, #tpu.memory_space<vmem>> -> memref<1x1x64x128xf32, #tpu.memory_space<vmem>>
    %dma_wait3A_164 = tpu.memref_squeeze %dma_wait3A_163 : memref<1x1x64x128xf32, #tpu.memory_space<vmem>> -> memref<64x128xf32, #tpu.memory_space<vmem>>
    %dma_wait3A_165 = arith.constant 64 : i32
    %dma_wait3A_166 = tpu.memref_slice %arg9[%dma_wait3A_158, %dma_wait3A_165] : memref<2x128xi32, #tpu.memory_space<vmem>> -> memref<1x64xi32, #tpu.memory_space<vmem>>
    %dma_wait3A_167 = tpu.memref_squeeze %dma_wait3A_166 : memref<1x64xi32, #tpu.memory_space<vmem>> -> memref<64xi32, #tpu.memory_space<vmem>>
    %dma_wait3A_168 = arith.constant 0 : i32
    %dma_wait3A_169 = arith.constant 0 : i32
    %dma_wait3A_170 = tpu.memref_slice %arg2[%dma_wait3A_168, %dma_wait3A_169] : memref<65536x128xf32, #tpu.memory_space<hbm>> -> memref<65536x128xf32, #tpu.memory_space<hbm>>
    tpu.wait_indirect_dma semaphore(%arg16 : memref<!tpu.dma_semaphore, #tpu.memory_space<semaphore_mem>>) src(%dma_wait3A_170 : memref<65536x128xf32, #tpu.memory_space<hbm>>) dst(%dma_wait3A_164 : memref<64x128xf32, #tpu.memory_space<vmem>>)
    %add3A_171 = arith.constant 64 : i32
    %add3A_172 = arith.addi %mul3A_2, %add3A_171 : i32
    %dma_start3A_173 = arith.constant 0 : i32
    %dma_start3A_174 = arith.constant 1 : i32
    %dma_start3A_175 = arith.constant 0 : i32
    %dma_start3A_176 = arith.constant 0 : i32
    %dma_start3A_177 = tpu.memref_slice %arg10[%dma_start3A_173, %dma_start3A_174, %dma_start3A_175, %dma_start3A_176] : memref<2x2x64x128xf32, #tpu.memory_space<vmem>> -> memref<1x1x64x128xf32, #tpu.memory_space<vmem>>
    %dma_start3A_178 = tpu.memref_squeeze %dma_start3A_177 : memref<1x1x64x128xf32, #tpu.memory_space<vmem>> -> memref<64x128xf32, #tpu.memory_space<vmem>>
    %dma_start3A_179 = arith.constant 0 : i32
    %dma_start3A_180 = tpu.memref_slice %arg6[%add3A_172, %dma_start3A_179] : memref<4096x128xf32, #tpu.memory_space<hbm>> -> memref<64x128xf32, #tpu.memory_space<hbm>>
    %dma_start3A_181 = arith.constant 0 : i32
    %dma_start3A_182 = tpu.memref_slice %arg6[%add3A_172, %dma_start3A_181] : memref<4096x128xf32, #tpu.memory_space<hbm>> -> memref<64x128xf32, #tpu.memory_space<hbm>>
    %dma_start3A_183 = arith.constant 0 : i32
    %dma_start3A_184 = arith.constant 0 : i32
    %dma_start3A_185 = tpu.memref_slice %arg10[%dma_start3A_173, %dma_start3A_174, %dma_start3A_183, %dma_start3A_184] : memref<2x2x64x128xf32, #tpu.memory_space<vmem>> -> memref<1x1x64x128xf32, #tpu.memory_space<vmem>>
    %dma_start3A_186 = tpu.memref_squeeze %dma_start3A_185 : memref<1x1x64x128xf32, #tpu.memory_space<vmem>> -> memref<64x128xf32, #tpu.memory_space<vmem>>
    tpu.enqueue_dma source(%dma_start3A_186 : memref<64x128xf32, #tpu.memory_space<vmem>>) target(%dma_start3A_182 : memref<64x128xf32, #tpu.memory_space<hbm>>) target_semaphore(%arg20 : memref<!tpu.dma_semaphore, #tpu.memory_space<semaphore_mem>>)
    %dma_wait3A_187 = arith.constant 1 : i32
    %dma_wait3A_188 = arith.constant 1 : i32
    %dma_wait3A_189 = arith.constant 0 : i32
    %dma_wait3A_190 = arith.constant 0 : i32
    %dma_wait3A_191 = arith.constant 0 : i32
    %dma_wait3A_192 = tpu.memref_slice %arg10[%dma_wait3A_188, %dma_wait3A_189, %dma_wait3A_190, %dma_wait3A_191] : memref<2x2x64x128xf32, #tpu.memory_space<vmem>> -> memref<1x1x64x128xf32, #tpu.memory_space<vmem>>
    %dma_wait3A_193 = tpu.memref_squeeze %dma_wait3A_192 : memref<1x1x64x128xf32, #tpu.memory_space<vmem>> -> memref<64x128xf32, #tpu.memory_space<vmem>>
    %dma_wait3A_194 = arith.constant 0 : i32
    %dma_wait3A_195 = tpu.memref_slice %arg9[%dma_wait3A_187, %dma_wait3A_194] : memref<2x128xi32, #tpu.memory_space<vmem>> -> memref<1x64xi32, #tpu.memory_space<vmem>>
    %dma_wait3A_196 = tpu.memref_squeeze %dma_wait3A_195 : memref<1x64xi32, #tpu.memory_space<vmem>> -> memref<64xi32, #tpu.memory_space<vmem>>
    %dma_wait3A_197 = arith.constant 0 : i32
    %dma_wait3A_198 = arith.constant 0 : i32
    %dma_wait3A_199 = tpu.memref_slice %arg2[%dma_wait3A_197, %dma_wait3A_198] : memref<65536x128xf32, #tpu.memory_space<hbm>> -> memref<65536x128xf32, #tpu.memory_space<hbm>>
    tpu.wait_indirect_dma semaphore(%arg17 : memref<!tpu.dma_semaphore, #tpu.memory_space<semaphore_mem>>) src(%dma_wait3A_199 : memref<65536x128xf32, #tpu.memory_space<hbm>>) dst(%dma_wait3A_193 : memref<64x128xf32, #tpu.memory_space<vmem>>)
    %add3A_200 = arith.constant 0 : i32
    %add3A_201 = arith.addi %mul3A_2, %add3A_200 : i32
    %dma_start3A_202 = arith.constant 1 : i32
    %dma_start3A_203 = arith.constant 0 : i32
    %dma_start3A_204 = arith.constant 0 : i32
    %dma_start3A_205 = arith.constant 0 : i32
    %dma_start3A_206 = tpu.memref_slice %arg10[%dma_start3A_202, %dma_start3A_203, %dma_start3A_204, %dma_start3A_205] : memref<2x2x64x128xf32, #tpu.memory_space<vmem>> -> memref<1x1x64x128xf32, #tpu.memory_space<vmem>>
    %dma_start3A_207 = tpu.memref_squeeze %dma_start3A_206 : memref<1x1x64x128xf32, #tpu.memory_space<vmem>> -> memref<64x128xf32, #tpu.memory_space<vmem>>
    %dma_start3A_208 = arith.constant 0 : i32
    %dma_start3A_209 = tpu.memref_slice %arg7[%add3A_201, %dma_start3A_208] : memref<4096x128xf32, #tpu.memory_space<hbm>> -> memref<64x128xf32, #tpu.memory_space<hbm>>
    %dma_start3A_210 = arith.constant 0 : i32
    %dma_start3A_211 = tpu.memref_slice %arg7[%add3A_201, %dma_start3A_210] : memref<4096x128xf32, #tpu.memory_space<hbm>> -> memref<64x128xf32, #tpu.memory_space<hbm>>
    %dma_start3A_212 = arith.constant 0 : i32
    %dma_start3A_213 = arith.constant 0 : i32
    %dma_start3A_214 = tpu.memref_slice %arg10[%dma_start3A_202, %dma_start3A_203, %dma_start3A_212, %dma_start3A_213] : memref<2x2x64x128xf32, #tpu.memory_space<vmem>> -> memref<1x1x64x128xf32, #tpu.memory_space<vmem>>
    %dma_start3A_215 = tpu.memref_squeeze %dma_start3A_214 : memref<1x1x64x128xf32, #tpu.memory_space<vmem>> -> memref<64x128xf32, #tpu.memory_space<vmem>>
    tpu.enqueue_dma source(%dma_start3A_215 : memref<64x128xf32, #tpu.memory_space<vmem>>) target(%dma_start3A_211 : memref<64x128xf32, #tpu.memory_space<hbm>>) target_semaphore(%arg21 : memref<!tpu.dma_semaphore, #tpu.memory_space<semaphore_mem>>)
    %dma_wait3A_216 = arith.constant 1 : i32
    %dma_wait3A_217 = arith.constant 1 : i32
    %dma_wait3A_218 = arith.constant 1 : i32
    %dma_wait3A_219 = arith.constant 0 : i32
    %dma_wait3A_220 = arith.constant 0 : i32
    %dma_wait3A_221 = tpu.memref_slice %arg10[%dma_wait3A_217, %dma_wait3A_218, %dma_wait3A_219, %dma_wait3A_220] : memref<2x2x64x128xf32, #tpu.memory_space<vmem>> -> memref<1x1x64x128xf32, #tpu.memory_space<vmem>>
    %dma_wait3A_222 = tpu.memref_squeeze %dma_wait3A_221 : memref<1x1x64x128xf32, #tpu.memory_space<vmem>> -> memref<64x128xf32, #tpu.memory_space<vmem>>
    %dma_wait3A_223 = arith.constant 64 : i32
    %dma_wait3A_224 = tpu.memref_slice %arg9[%dma_wait3A_216, %dma_wait3A_223] : memref<2x128xi32, #tpu.memory_space<vmem>> -> memref<1x64xi32, #tpu.memory_space<vmem>>
    %dma_wait3A_225 = tpu.memref_squeeze %dma_wait3A_224 : memref<1x64xi32, #tpu.memory_space<vmem>> -> memref<64xi32, #tpu.memory_space<vmem>>
    %dma_wait3A_226 = arith.constant 0 : i32
    %dma_wait3A_227 = arith.constant 0 : i32
    %dma_wait3A_228 = tpu.memref_slice %arg2[%dma_wait3A_226, %dma_wait3A_227] : memref<65536x128xf32, #tpu.memory_space<hbm>> -> memref<65536x128xf32, #tpu.memory_space<hbm>>
    tpu.wait_indirect_dma semaphore(%arg18 : memref<!tpu.dma_semaphore, #tpu.memory_space<semaphore_mem>>) src(%dma_wait3A_228 : memref<65536x128xf32, #tpu.memory_space<hbm>>) dst(%dma_wait3A_222 : memref<64x128xf32, #tpu.memory_space<vmem>>)
    %add3A_229 = arith.constant 64 : i32
    %add3A_230 = arith.addi %mul3A_2, %add3A_229 : i32
    %dma_start3A_231 = arith.constant 1 : i32
    %dma_start3A_232 = arith.constant 1 : i32
    %dma_start3A_233 = arith.constant 0 : i32
    %dma_start3A_234 = arith.constant 0 : i32
    %dma_start3A_235 = tpu.memref_slice %arg10[%dma_start3A_231, %dma_start3A_232, %dma_start3A_233, %dma_start3A_234] : memref<2x2x64x128xf32, #tpu.memory_space<vmem>> -> memref<1x1x64x128xf32, #tpu.memory_space<vmem>>
    %dma_start3A_236 = tpu.memref_squeeze %dma_start3A_235 : memref<1x1x64x128xf32, #tpu.memory_space<vmem>> -> memref<64x128xf32, #tpu.memory_space<vmem>>
    %dma_start3A_237 = arith.constant 0 : i32
    %dma_start3A_238 = tpu.memref_slice %arg7[%add3A_230, %dma_start3A_237] : memref<4096x128xf32, #tpu.memory_space<hbm>> -> memref<64x128xf32, #tpu.memory_space<hbm>>
    %dma_start3A_239 = arith.constant 0 : i32
    %dma_start3A_240 = tpu.memref_slice %arg7[%add3A_230, %dma_start3A_239] : memref<4096x128xf32, #tpu.memory_space<hbm>> -> memref<64x128xf32, #tpu.memory_space<hbm>>
    %dma_start3A_241 = arith.constant 0 : i32
    %dma_start3A_242 = arith.constant 0 : i32
    %dma_start3A_243 = tpu.memref_slice %arg10[%dma_start3A_231, %dma_start3A_232, %dma_start3A_241, %dma_start3A_242] : memref<2x2x64x128xf32, #tpu.memory_space<vmem>> -> memref<1x1x64x128xf32, #tpu.memory_space<vmem>>
    %dma_start3A_244 = tpu.memref_squeeze %dma_start3A_243 : memref<1x1x64x128xf32, #tpu.memory_space<vmem>> -> memref<64x128xf32, #tpu.memory_space<vmem>>
    tpu.enqueue_dma source(%dma_start3A_244 : memref<64x128xf32, #tpu.memory_space<vmem>>) target(%dma_start3A_240 : memref<64x128xf32, #tpu.memory_space<hbm>>) target_semaphore(%arg22 : memref<!tpu.dma_semaphore, #tpu.memory_space<semaphore_mem>>)
    %dma_wait3A_245 = arith.constant 0 : i32
    %dma_wait3A_246 = arith.constant 0 : i32
    %dma_wait3A_247 = arith.constant 0 : i32
    %dma_wait3A_248 = arith.constant 0 : i32
    %dma_wait3A_249 = tpu.memref_slice %arg10[%dma_wait3A_245, %dma_wait3A_246, %dma_wait3A_247, %dma_wait3A_248] : memref<2x2x64x128xf32, #tpu.memory_space<vmem>> -> memref<1x1x64x128xf32, #tpu.memory_space<vmem>>
    %dma_wait3A_250 = tpu.memref_squeeze %dma_wait3A_249 : memref<1x1x64x128xf32, #tpu.memory_space<vmem>> -> memref<64x128xf32, #tpu.memory_space<vmem>>
    %dma_wait3A_251 = arith.constant 0 : i32
    %dma_wait3A_252 = tpu.memref_slice %arg6[%add3A_143, %dma_wait3A_251] : memref<4096x128xf32, #tpu.memory_space<hbm>> -> memref<64x128xf32, #tpu.memory_space<hbm>>
    %dma_wait3A_253 = arith.constant 0 : i32
    %dma_wait3A_254 = tpu.memref_slice %arg6[%add3A_143, %dma_wait3A_253] : memref<4096x128xf32, #tpu.memory_space<hbm>> -> memref<64x128xf32, #tpu.memory_space<hbm>>
    %dma_wait3A_255 = arith.constant 0 : i32
    %dma_wait3A_256 = arith.constant 0 : i32
    %dma_wait3A_257 = tpu.memref_slice %arg10[%dma_wait3A_245, %dma_wait3A_246, %dma_wait3A_255, %dma_wait3A_256] : memref<2x2x64x128xf32, #tpu.memory_space<vmem>> -> memref<1x1x64x128xf32, #tpu.memory_space<vmem>>
    %dma_wait3A_258 = tpu.memref_squeeze %dma_wait3A_257 : memref<1x1x64x128xf32, #tpu.memory_space<vmem>> -> memref<64x128xf32, #tpu.memory_space<vmem>>
    tpu.wait_dma2 semaphore(%arg19 : memref<!tpu.dma_semaphore, #tpu.memory_space<semaphore_mem>>) src(%dma_wait3A_258 : memref<64x128xf32, #tpu.memory_space<vmem>>) dst(%dma_wait3A_254 : memref<64x128xf32, #tpu.memory_space<hbm>>)
    %dma_wait3A_259 = arith.constant 0 : i32
    %dma_wait3A_260 = arith.constant 1 : i32
    %dma_wait3A_261 = arith.constant 0 : i32
    %dma_wait3A_262 = arith.constant 0 : i32
    %dma_wait3A_263 = tpu.memref_slice %arg10[%dma_wait3A_259, %dma_wait3A_260, %dma_wait3A_261, %dma_wait3A_262] : memref<2x2x64x128xf32, #tpu.memory_space<vmem>> -> memref<1x1x64x128xf32, #tpu.memory_space<vmem>>
    %dma_wait3A_264 = tpu.memref_squeeze %dma_wait3A_263 : memref<1x1x64x128xf32, #tpu.memory_space<vmem>> -> memref<64x128xf32, #tpu.memory_space<vmem>>
    %dma_wait3A_265 = arith.constant 0 : i32
    %dma_wait3A_266 = tpu.memref_slice %arg6[%add3A_172, %dma_wait3A_265] : memref<4096x128xf32, #tpu.memory_space<hbm>> -> memref<64x128xf32, #tpu.memory_space<hbm>>
    %dma_wait3A_267 = arith.constant 0 : i32
    %dma_wait3A_268 = tpu.memref_slice %arg6[%add3A_172, %dma_wait3A_267] : memref<4096x128xf32, #tpu.memory_space<hbm>> -> memref<64x128xf32, #tpu.memory_space<hbm>>
    %dma_wait3A_269 = arith.constant 0 : i32
    %dma_wait3A_270 = arith.constant 0 : i32
    %dma_wait3A_271 = tpu.memref_slice %arg10[%dma_wait3A_259, %dma_wait3A_260, %dma_wait3A_269, %dma_wait3A_270] : memref<2x2x64x128xf32, #tpu.memory_space<vmem>> -> memref<1x1x64x128xf32, #tpu.memory_space<vmem>>
    %dma_wait3A_272 = tpu.memref_squeeze %dma_wait3A_271 : memref<1x1x64x128xf32, #tpu.memory_space<vmem>> -> memref<64x128xf32, #tpu.memory_space<vmem>>
    tpu.wait_dma2 semaphore(%arg20 : memref<!tpu.dma_semaphore, #tpu.memory_space<semaphore_mem>>) src(%dma_wait3A_272 : memref<64x128xf32, #tpu.memory_space<vmem>>) dst(%dma_wait3A_268 : memref<64x128xf32, #tpu.memory_space<hbm>>)
    %dma_wait3A_273 = arith.constant 1 : i32
    %dma_wait3A_274 = arith.constant 0 : i32
    %dma_wait3A_275 = arith.constant 0 : i32
    %dma_wait3A_276 = arith.constant 0 : i32
    %dma_wait3A_277 = tpu.memref_slice %arg10[%dma_wait3A_273, %dma_wait3A_274, %dma_wait3A_275, %dma_wait3A_276] : memref<2x2x64x128xf32, #tpu.memory_space<vmem>> -> memref<1x1x64x128xf32, #tpu.memory_space<vmem>>
    %dma_wait3A_278 = tpu.memref_squeeze %dma_wait3A_277 : memref<1x1x64x128xf32, #tpu.memory_space<vmem>> -> memref<64x128xf32, #tpu.memory_space<vmem>>
    %dma_wait3A_279 = arith.constant 0 : i32
    %dma_wait3A_280 = tpu.memref_slice %arg7[%add3A_201, %dma_wait3A_279] : memref<4096x128xf32, #tpu.memory_space<hbm>> -> memref<64x128xf32, #tpu.memory_space<hbm>>
    %dma_wait3A_281 = arith.constant 0 : i32
    %dma_wait3A_282 = tpu.memref_slice %arg7[%add3A_201, %dma_wait3A_281] : memref<4096x128xf32, #tpu.memory_space<hbm>> -> memref<64x128xf32, #tpu.memory_space<hbm>>
    %dma_wait3A_283 = arith.constant 0 : i32
    %dma_wait3A_284 = arith.constant 0 : i32
    %dma_wait3A_285 = tpu.memref_slice %arg10[%dma_wait3A_273, %dma_wait3A_274, %dma_wait3A_283, %dma_wait3A_284] : memref<2x2x64x128xf32, #tpu.memory_space<vmem>> -> memref<1x1x64x128xf32, #tpu.memory_space<vmem>>
    %dma_wait3A_286 = tpu.memref_squeeze %dma_wait3A_285 : memref<1x1x64x128xf32, #tpu.memory_space<vmem>> -> memref<64x128xf32, #tpu.memory_space<vmem>>
    tpu.wait_dma2 semaphore(%arg21 : memref<!tpu.dma_semaphore, #tpu.memory_space<semaphore_mem>>) src(%dma_wait3A_286 : memref<64x128xf32, #tpu.memory_space<vmem>>) dst(%dma_wait3A_282 : memref<64x128xf32, #tpu.memory_space<hbm>>)
    %dma_wait3A_287 = arith.constant 1 : i32
    %dma_wait3A_288 = arith.constant 1 : i32
    %dma_wait3A_289 = arith.constant 0 : i32
    %dma_wait3A_290 = arith.constant 0 : i32
    %dma_wait3A_291 = tpu.memref_slice %arg10[%dma_wait3A_287, %dma_wait3A_288, %dma_wait3A_289, %dma_wait3A_290] : memref<2x2x64x128xf32, #tpu.memory_space<vmem>> -> memref<1x1x64x128xf32, #tpu.memory_space<vmem>>
    %dma_wait3A_292 = tpu.memref_squeeze %dma_wait3A_291 : memref<1x1x64x128xf32, #tpu.memory_space<vmem>> -> memref<64x128xf32, #tpu.memory_space<vmem>>
    %dma_wait3A_293 = arith.constant 0 : i32
    %dma_wait3A_294 = tpu.memref_slice %arg7[%add3A_230, %dma_wait3A_293] : memref<4096x128xf32, #tpu.memory_space<hbm>> -> memref<64x128xf32, #tpu.memory_space<hbm>>
    %dma_wait3A_295 = arith.constant 0 : i32
    %dma_wait3A_296 = tpu.memref_slice %arg7[%add3A_230, %dma_wait3A_295] : memref<4096x128xf32, #tpu.memory_space<hbm>> -> memref<64x128xf32, #tpu.memory_space<hbm>>
    %dma_wait3A_297 = arith.constant 0 : i32
    %dma_wait3A_298 = arith.constant 0 : i32
    %dma_wait3A_299 = tpu.memref_slice %arg10[%dma_wait3A_287, %dma_wait3A_288, %dma_wait3A_297, %dma_wait3A_298] : memref<2x2x64x128xf32, #tpu.memory_space<vmem>> -> memref<1x1x64x128xf32, #tpu.memory_space<vmem>>
    %dma_wait3A_300 = tpu.memref_squeeze %dma_wait3A_299 : memref<1x1x64x128xf32, #tpu.memory_space<vmem>> -> memref<64x128xf32, #tpu.memory_space<vmem>>
    tpu.wait_dma2 semaphore(%arg22 : memref<!tpu.dma_semaphore, #tpu.memory_space<semaphore_mem>>) src(%dma_wait3A_300 : memref<64x128xf32, #tpu.memory_space<vmem>>) dst(%dma_wait3A_296 : memref<64x128xf32, #tpu.memory_space<hbm>>)
    return
  }
}

</mosaic_0001>

<sc_bundles>
// kernel: _ivf_lookup.3.cloned.1.call-start
scs
__scs_entry_jumppad:
0x0: {  	(pc) =	sbr.rel $0x88, $3  }
0x1: {  	(tag) =	ssettag $0x0;
	lr =	simm.s32 $0x1  }
0x2: {  	[smem:$0x3F9D] =	sst lr;
	_ =	strace $0xD0000000  }
0x3: {  	_ = 	snop  }
0x4: {  	_ = 	snop  }
0x5: {  	_ = 	snop  }
0x6: {  	_ = 	snop  }
0x7: {  	_ = 	snop  }
__scs_overlays_trampoline_lowered:
0x8: {  	[smem:$0x3FAC] =	sst s0  }
0x9: {  	[smem:$0x3FAD] =	sst s1  }
0xa: {  	[smem:$0x3FAE] =	sst s2  }
0xb: {  	[smem:$0x3FAF] =	sst s3  }
0xc: {  	[smem:$0x3FB0] =	sst s4  }
0xd: {  	[smem:$0x3FB1] =	sst s5  }
0xe: {  	[smem:$0x3FB2] =	sst s6  }
0xf: {  	[smem:$0x3FB3] =	sst s7  }
0x10: {  	[smem:$0x3FB4] =	sst s8  }
0x11: {  	[smem:$0x3FB5] =	sst s9;
	s0 =	simm.s32 @!p0 $0x0  }
0x12: {  	s1 =	sld [smem:$0x3F9B];
	s0 =	simm.s32 @p0 $0x1  }
0x13: {  	[smem:$0x3FB6] =	sst s0;
	s0 =	simm.s32 @!p1 $0x0  }
0x14: {  	s2 =	sld [smem:$0x3F9A];
	s0 =	simm.s32 @p1 $0x1  }
0x15: {  	[smem:$0x3FB7] =	sst s0;
	s0 =	simm.s32 @!p2 $0x0  }
0x16: {  	s3 =	sld [smem:$0x3FDB];
	s0 =	simm.s32 @p2 $0x1  }
0x17: {  	s4 =	simm.s32 $0x1BF5;
	[smem:$0x3FB9] =	sst s0  }
0x18: {  	s0 =	sld [smem:$0x3F9C];
	_ =	swait.ge [sflag:s4], $0x0  }
0x19: {  	s7 =	sld [smem:$0x3F9D]  }
0x1a: {  	s8 =	sadd.s32 $0xFFFFE003, lr  }
0x1b: {  	s9 =	sadd.s32 $0xFFFFFEF7, lr;
	s5 =	simm.s32 $0xFFFFFFFF;
	p2 =	slt.u32 s8, $0xFFFFF086  }
0x1c: {  	p1 =	slt.u32 s9, $0xF7A;
	s5 =	simm.s32 @!p2 $0x0  }
0x1d: {  	s5 =	simm.s32 @p1 $0x1;
	p0 =	seq.s32 s7, s2  }
0x1e: {  	s7 =	smul.u32 @!p0 $0xF7A, s2;
	p2 =	seq.s32 @!p0 s5, $0x0  }
0x1f: {  	s9 =	smul.u32 $0xF7A, s1;
	s8 =	simm.s32 @!p0 $0x1BF5;
	p2 =	por !p2, p0  }
0x20: {  	[sflag:s8] =	ssyncset.s32 @!p0 $0xFFFFF086;
	s6 =	sadd.s32 @!p0 s3, s7;
	s7 =	simm.s32 @!p0 $0x108  }
0x21: {  	s3 =	sadd.s32 s3, s9;
	s6 =	sadd.s32 @!p0 $0x88, s6;
	s7 =	simm.s32 @p2 $0x1082  }
0x22: {  	[simem:s7], [sflag:s8] =	dma.local @!p0 [hbm:s6], $0xF7A  }
0x23: {  	s9 =	sor.u32 $0xD0000000, s2;
	s6 =	simm.s32 $0x108;
	_ =	swait.ge @!p0 [sflag:s8], $0x0  }
0x24: {  	s3 =	sadd.s32 $0x88, s3;
	s6 =	simm.s32 @!p1 $0x1082;
	[sflag:s4] =	ssyncset.s32 $0xFFFFF086  }
0x25: {  	[simem:s6], [sflag:s4] =	dma.local [hbm:s3], $0xF7A  }
0x26: {  	[smem:$0x3F9D] =	sst s1;
	(tag) =	ssettag s2;
	_ =	strace s9  }
0x27: {  	s1 =	sld [smem:$0x3FAD]  }
0x28: {  	s2 =	sld [smem:$0x3FAE]  }
0x29: {  	s4 =	sld [smem:$0x3FB0]  }
0x2a: {  	p0 =	seq.s32 s5, $0x0;
	s5 =	sld [smem:$0x3FB1]  }
0x2b: {  	s6 =	sld [smem:$0x3FB2]  }
0x2c: {  	s7 =	sld [smem:$0x3FB3]  }
0x2d: {  	s3 =	simm.s32 $0x108;
	s8 =	sld [smem:$0x3FB4]  }
0x2e: {  	s3 =	simm.s32 @!p0 $0x1082;
	s9 =	sld [smem:$0x3FB5]  }
0x2f: {  	lr =	sadd.s32 s0, s3;
	s0 =	sld [smem:$0x3FAC]  }
0x30: {  	s3 =	sld [smem:$0x3FAF]  }
0x31: {  	[smem:$0x3FB8] =	sst s10  }
0x32: {  	s10 =	sld [smem:$0x3FB6];
	_ =	sdelay $0x3  }
0x33: {  	p0 =	seq.s32 s10, $0x1;
	s10 =	sld [smem:$0x3FB8];
	_ =	sdelay $0x3  }
0x34: {  	[smem:$0x3FB8] =	sst s10  }
0x35: {  	s10 =	sld [smem:$0x3FB7];
	_ =	sdelay $0x3  }
0x36: {  	p1 =	seq.s32 s10, $0x1;
	s10 =	sld [smem:$0x3FB8];
	_ =	sdelay $0x3  }
0x37: {  	[smem:$0x3FB8] =	sst s10  }
0x38: {  	s10 =	sld [smem:$0x3FB9]  }
0x39: {  	_ = 	snop;
	(pc) =	sbr.ind lr, $3  }
0x3a: {  	_ = 	snop  }
0x3b: {  	_ = 	snop  }
0x3c: {  	p2 =	seq.s32 s10, $0x1;
	s10 =	sld [smem:$0x3FB8]  }
0x3d: {  	_ =	shalt  }
0x3e: {  	_ =	shalt  }
0x3f: {  	_ =	shalt  }
0x40: {  	_ =	shalt  }
0x41: {  	_ =	shalt  }
0x42: {  	_ =	shalt  }
0x43: {  	_ =	shalt  }
0x44: {  	_ =	shalt  }
0x45: {  	_ =	shalt  }
0x46: {  	_ =	shalt  }
0x47: {  	_ =	shalt  }
0x48: {  	_ =	shalt  }
0x49: {  	_ =	shalt  }
0x4a: {  	_ =	shalt  }
0x4b: {  	_ =	shalt  }
0x4c: {  	_ =	shalt  }
0x4d: {  	_ =	shalt  }
0x4e: {  	_ =	shalt  }
0x4f: {  	_ =	shalt  }
0x50: {  	_ =	shalt  }
0x51: {  	_ =	shalt  }
0x52: {  	_ =	shalt  }
0x53: {  	_ =	shalt  }
0x54: {  	_ =	shalt  }
0x55: {  	_ =	shalt  }
0x56: {  	_ =	shalt  }
0x57: {  	_ =	shalt  }
0x58: {  	_ =	shalt  }
0x59: {  	_ =	shalt  }
0x5a: {  	_ =	shalt  }
0x5b: {  	_ =	shalt  }
0x5c: {  	_ =	shalt  }
0x5d: {  	_ =	shalt  }
0x5e: {  	_ =	shalt  }
0x5f: {  	_ =	shalt  }
0x60: {  	_ =	shalt  }
0x61: {  	_ =	shalt  }
0x62: {  	_ =	shalt  }
0x63: {  	_ =	shalt  }
0x64: {  	_ =	shalt  }
0x65: {  	_ =	shalt  }
0x66: {  	_ =	shalt  }
0x67: {  	_ =	shalt  }
0x68: {  	_ =	shalt  }
0x69: {  	_ =	shalt  }
0x6a: {  	_ =	shalt  }
0x6b: {  	_ =	shalt  }
0x6c: {  	_ =	shalt  }
0x6d: {  	_ =	shalt  }
0x6e: {  	_ =	shalt  }
0x6f: {  	_ =	shalt  }
0x70: {  	_ =	shalt  }
0x71: {  	_ =	shalt  }
0x72: {  	_ =	shalt  }
0x73: {  	_ =	shalt  }
0x74: {  	_ =	shalt  }
0x75: {  	_ =	shalt  }
0x76: {  	_ =	shalt  }
0x77: {  	_ =	shalt  }
0x78: {  	_ =	shalt  }
0x79: {  	_ =	shalt  }
0x7a: {  	_ =	shalt  }
0x7b: {  	_ =	shalt  }
0x7c: {  	_ =	shalt  }
0x7d: {  	_ =	shalt  }
0x7e: {  	_ =	shalt  }
0x7f: {  	_ =	shalt  }
0x80: {  	_ =	shalt  }
0x81: {  	_ =	shalt  }
0x82: {  	_ =	shalt  }
0x83: {  	_ =	shalt  }
0x84: {  	_ =	shalt  }
0x85: {  	_ =	shalt  }
0x86: {  	_ =	shalt  }
0x87: {  	_ =	shalt  }
.Lfunc_end0:
.L_simem_size_0:
called_computation_lowered:
.L_overlay_start_0:
0x88: {  	s2 =	sld [smem:$0x3FD9]  }
0x89: {  	s3 =	sld [smem:$0x3FFE];
	_ =	sdelay $0x1  }
0x8a: {  	s1 =	srdreg.scid  }
0x8b: {  	s0 =	sand.u32 $0x1, s1  }
0x8c: {  	s15 =	sshll.u32 s0, $0xA;
	s2 =	sadd.s32 s3, s2  }
0x8d: {  	s2 =	sadd.s32 s2, s15  }
0x8e: {  	[smem:$0x3FC4] =	sst s2  }
0x8f: {  	_ = 	snop  }
0x90: {  	s2 =	sld [smem:$0x3FC9]  }
0x91: {  	s16 =	sld [smem:$0x3FD0]  }
0x92: {  	s4 =	sld [smem:$0x3FC8]  }
0x93: {  	s5 =	sld [smem:$0x3FC7]  }
0x94: {  	s7 =	simm.s32 $0xA;
	s8 =	simm.s32 $0x10;
	s6 =	sld [smem:$0x3FC6]  }
0x95: {  	[smem:s8], [sflag:s7] =	dma.local [hbm:s16], $0x1  }
0x96: {  	_ =	swait.eq [sflag:s7], $0x1  }
0x97: {  	[sflag:s7] =	ssyncset.done $0x0  }
0x98: {  	s17 =	sld [smem:$0x10];
	[sflag:s7] =	ssyncadd.s32 $0xFFFFFFFF  }
0x99: {  	s18 =	sld [smem:$0x11];
	(tm) =	ssettm $0x1  }
0x9a: {  	s19 =	sld [smem:$0x3FFB];
	_ =	sdelay $0x3  }
0x9b: {  	_ =	strace s19  }
0x9c: {  	s8 =	sld [smem:$0x3FFC];
	_ =	sdelay $0x3  }
0x9d: {  	_ =	strace s8  }
0x9e: {  	s8 =	sld [smem:$0x3FFD];
	_ =	sdelay $0x3  }
0x9f: {  	_ =	strace s8  }
0xa0: {  	_ =	strace $0x8FFFFFFF  }
0xa1: {  	s20 =	sld [smem:$0x3FDB];
	_ =	sdelay $0x1  }
0xa2: {  	s9 =	simm.s32 $_scs_section_size  }
0xa3: {  	s10 =	simm.s32 $_size__tile_overlayer_lowered;
	s11 =	simm.s32 $_tile_overlayer_lowered  }
0xa4: {  	s23 =	simm.s32 $0x1BFF;
	s22 =	sshll.u32 s11, $0x1;
	s8 =	sadd.s32 s9, s20  }
0xa5: {  	s12 =	simm.s32 $0x0;
	s21 =	sshll.u32 s10, $0x1;
	s10 =	sadd.s32 s22, s8  }
0xa6: {  	[timem:s12], [sflag:s23] =	dma.local [hbm:s10], s21  }
0xa7: {  	_ =	swait.ge [sflag:s23], s21  }
0xa8: {  	s9 =	ssub.s32 $0x0, s21;
	[sflag:s23] =	ssyncset.done $0x0  }
0xa9: {  	[sflag:s23] =	ssyncadd.s32 s9;
	_ =	sdelay $0x1  }
0xaa: {  	s24 =	simm.s32 $0x1B8B  }
0xab: {  	_ =	swait.ge [sflag:s24], $0x1  }
0xac: {  	[sflag:s24] =	ssyncset.done $0x0  }
0xad: {  	s25 =	simm.s32 $0x1B8E;
	[sflag:s24] =	ssyncadd.s32 $0xFFFFFFFF  }
0xae: {  	s26 =	simm.s32 $execute0_lowered;
	[smem:$0x3FD2] =	sst s25  }
0xaf: {  	s9 =	sshll.u32 s26, $0x1;
	_ =	strace $0x80000046;
	[dreg:$0x1] =	wrdreg $0xFFFFFFFF  }
0xb0: {  	s28 =	simm.s32 $_size_execute0_lowered;
	s8 =	sadd.s32 s8, s9;
	[dreg:$0x0] =	wrdreg $0x0  }
0xb1: {  	s9 =	sshll.u32 s28, $0x1;
	[dreg:$0x2] =	wrdreg s8  }
0xb2: {  	[dreg:$0x3] =	wrdreg s9  }
0xb3: {  	[dreg:$0x4] =	wrdreg $0xC0  }
0xb4: {  	_ =	task [dreg:s12], $0x5FFFF  }
0xb5: {  	[dreg:$0x1] =	wrdreg $0xFFFFFFFF  }
0xb6: {  	[dreg:$0x0] =	wrdreg $0x60  }
0xb7: {  	[dreg:$0x2] =	wrdreg s2  }
0xb8: {  	[dreg:$0x3] =	wrdreg s4  }
0xb9: {  	[dreg:$0x4] =	wrdreg s5  }
0xba: {  	[dreg:$0x5] =	wrdreg s6  }
0xbb: {  	[dreg:$0x6] =	wrdreg s17  }
0xbc: {  	[dreg:$0x7] =	wrdreg s18  }
0xbd: {  	[dreg:$0x8] =	wrdreg $0x9  }
0xbe: {  	_ =	task.clear_ibuf [dreg:s12], $0x9FFFF;
	_ =	strace $0x90000046  }
0xbf: {  	s29 =	simm.s32 $0x9;
	_ =	strace $0x80000048  }
0xc0: {  	_ =	swait.ge [sflag:s29], $0x1  }
0xc1: {  	[sflag:s29] =	ssyncadd.s32 $0xFFFFFFFF  }
0xc2: {  	_ =	strace $0x90000048  }
0xc3: {  	_ =	sfence  }
0xc4: {  	s30 =	sld [smem:$0x0];
	_ =	sdelay $0x2  }
0xc5: {  	s31 =	sshll.u32 s1, $0xD;
	s1 =	sshrl.u32 s1, $0x2  }
0xc6: {  	s3 =	sand.u32 $0x4000, s31;
	s1 =	sadd.s32 s1, s30  }
0xc7: {  	s0 =	sor.u32 s3, s0;
	s1 =	sshll.u32 s1, $0x11  }
0xc8: {  	s0 =	sor.u32 s1, s0  }
0xc9: {  	s0 =	sadd.s32 $0x8F2B, s0  }
0xca: {  	[sflag:s0] =	ssyncadd.remote.s32 $0x1  }
0xcb: {  	_ =	sfence.sel $0xFFFF  }
0xcc: {  	[dreg:$0x0] =	wrdreg $0xFFFFFFFF;
	(pc) =	sbr.abs _section_cstart, $3  }
0xcd: {  	[dreg:$0x1] =	wrdreg $0xFFFFFFFF  }
0xce: {  	_ =	task.clear_ibuf [dreg:s12], $0x2FFFF;
	_ =	strace $0x9FFFFFFF  }
0xcf: {  	(tm) =	ssettm $0x7FFFFFFF  }
tec
execute0_lowered:
.L_overlay_start_1:
0x0: {  	(tag) =	ssettag $0x1  }
0x1: {  	s1 =	rddreg [dreg:$0x0]  }
0x2: {  	s2 =	rddreg [dreg:$0x1];
	s3 =	srdreg.scid  }
0x3: {  	s5 =	rddreg [dreg:$0x2];
	s0 =	stileid.u32;
	s3 =	sand.u32 $0x1, s3  }
0x4: {  	s6 =	rddreg [dreg:$0x3];
	s7 =	sshll.u32 s0, $0x8;
	s8 =	sshll.u32 s3, $0x7  }
0x5: {  	s22 =	rddreg [dreg:$0x4];
	s20 =	sor.u32 s8, s7  }
0x6: {  	s26 =	rddreg [dreg:$0x5];
	s4 =	simm.s32 $0x0;
	s7 =	sshrl.u32 s20, $0x3  }
0x7: {  	[smem:$0x7FF] =	sst s4;
	s5 =	sadd.s32 s5, s7  }
0x8: {  	_ =	strace $0x80000047;
	s21 =	sadd.s32 s6, s7;
	[dreg:$0x7] =	wrdreg s5  }
0x9: {  	[dreg:$0x8] =	wrdreg s21  }
0xa: {  	s23 =	rddreg [dreg:$0x7]  }
0xb: {  	[tilespmem:s4], [sflag:$0x1] =	stream.linear.gather [hbm4b:s23+s4], $0x80, $0x38;
	[tilespmem:$0x8200] =	vst v63  }
0xc: {  	s6 =	simm.s32 $0x1;
	s5 =	simm.s32 $0x80;
	s24 =	rddreg [dreg:$0x8]  }
0xd: {  	[tilespmem:s5], [sflag:$0x2] =	stream.linear.gather [hbm4b:s24+s4], $0x80, $0x38;
	[tilespmem:$0x8200] =	vst v63  }
0xe: {  	_ =	swait.ge [sflag:s6], $0x80  }
0xf: {  	[sflag:s6] =	ssyncset.done $0x0  }
0x10: {  	s8 =	simm.s32 $0x2;
	s7 =	simm.s32 $0x100;
	[sflag:s6] =	ssyncadd.s32 $0xFFFFFF80  }
0x11: {  	[tilespmem:s7], [sflag:$0x3] =	stream.indirect.gather [hbm4b:s2+s5], $0x1, s4, s5, $0xb8;
	[tilespmem:$0x8200] =	vst v63  }
0x12: {  	_ =	swait.ge [sflag:s8], $0x80  }
0x13: {  	[sflag:s8] =	ssyncset.done $0x0  }
0x14: {  	s9 =	simm.s32 $0x180;
	s10 =	simm.s32 $0x3;
	[sflag:s8] =	ssyncadd.s32 $0xFFFFFF80  }
0x15: {  	[tilespmem:s9], [sflag:$0x4] =	stream.indirect.gather [hbm4b:s2+s5], $0x1, s5, s5, $0xb8;
	[tilespmem:$0x8200] =	vst v63  }
0x16: {  	_ =	swait.ge [sflag:s10], $0x80  }
0x17: {  	[sflag:s10] =	ssyncset.done $0x0  }
0x18: {  	s11 =	simm.s32 $0x40;
	s12 =	simm.s32 $0x200;
	[sflag:s10] =	ssyncadd.s32 $0xFFFFFF80  }
0x19: {  	[tilespmem:s12], [sflag:$0x5] =	stream.indirect.gather [hbm4b:s1+s11], $0x80, s7, s11, $0xb8;
	[tilespmem:$0x8200] =	vst v63  }
0x1a: {  	s25 =	simm.s32 $0x140;
	s14 =	simm.s32 $0x2200;
	s15 =	simm.s32 $0x4  }
0x1b: {  	[tilespmem:s14], [sflag:$0x6] =	stream.indirect.gather [hbm4b:s1+s11], $0x80, s25, s11, $0xb8;
	[tilespmem:$0x8200] =	vst v63  }
0x1c: {  	_ =	swait.ge [sflag:s15], $0x80  }
0x1d: {  	[sflag:s15] =	ssyncset.done $0x0  }
0x1e: {  	s16 =	simm.s32 $0x4200;
	[sflag:s15] =	ssyncadd.s32 $0xFFFFFF80  }
0x1f: {  	[tilespmem:s16], [sflag:$0x7] =	stream.indirect.gather [hbm4b:s1+s11], $0x80, s9, s11, $0xb8;
	[tilespmem:$0x8200] =	vst v63  }
0x20: {  	s17 =	simm.s32 $0x1C0;
	s18 =	simm.s32 $0x6200;
	s19 =	simm.s32 $0x5  }
0x21: {  	[tilespmem:s18], [sflag:$0x8] =	stream.indirect.gather [hbm4b:s1+s11], $0x80, s17, s11, $0xb8;
	[tilespmem:$0x8200] =	vst v63  }
0x22: {  	_ =	swait.ge [sflag:s19], $0x2000  }
0x23: {  	s24 =	sshll.u32 s20, $0x4;
	[sflag:s19] =	ssyncset.done $0x0  }
0x24: {  	s21 =	simm.s32 $0x6;
	s20 =	sadd.s32 s22, s24;
	[sflag:s19] =	ssyncadd.s32 $0xFFFFE000  }
0x25: {  	[hbm4b:s20+s4] =	stream.linear.scatter [tilespmem:s12], [sflag:$0x9], $0x2000, $0x38;
	[tilespmem:$0x8200] =	vst v63  }
0x26: {  	_ =	swait.ge [sflag:s21], $0x2000  }
0x27: {  	s28 =	sor.u32 $0x400, s24;
	[sflag:s21] =	ssyncset.done $0x0  }
0x28: {  	s23 =	simm.s32 $0x7;
	s22 =	sadd.s32 s22, s28;
	[sflag:s21] =	ssyncadd.s32 $0xFFFFE000  }
0x29: {  	[hbm4b:s22+s4] =	stream.linear.scatter [tilespmem:s14], [sflag:$0xA], $0x2000, $0x38;
	[tilespmem:$0x8200] =	vst v63  }
0x2a: {  	_ =	swait.ge [sflag:s23], $0x2000  }
0x2b: {  	[sflag:s23] =	ssyncset.done $0x0  }
0x2c: {  	s24 =	sadd.s32 s26, s24;
	s25 =	simm.s32 $0x8;
	[sflag:s23] =	ssyncadd.s32 $0xFFFFE000  }
0x2d: {  	[hbm4b:s24+s4] =	stream.linear.scatter [tilespmem:s16], [sflag:$0xB], $0x2000, $0x38;
	[tilespmem:$0x8200] =	vst v63  }
0x2e: {  	_ =	swait.ge [sflag:s25], $0x2000  }
0x2f: {  	[sflag:s25] =	ssyncset.done $0x0  }
0x30: {  	s26 =	sadd.s32 s26, s28;
	s28 =	simm.s32 $0x9;
	[sflag:s25] =	ssyncadd.s32 $0xFFFFE000  }
0x31: {  	[hbm4b:s26+s4] =	stream.linear.scatter [tilespmem:s18], [sflag:$0xC], $0x2000, $0x38;
	[tilespmem:$0x8200] =	vst v63  }
0x32: {  	s3 =	ssub.s32 $0x2, s3;
	_ =	swait.ge [sflag:s28], $0x2000  }
0x33: {  	s31 =	sshrl.u32 s3, $0x1;
	[sflag:s28] =	ssyncset.done $0x0  }
0x34: {  	s29 =	simm.s32 $0xA;
	s3 =	ssub.s32 s3, s31;
	[sflag:s28] =	ssyncadd.s32 $0xFFFFE000  }
0x35: {  	s3 =	smax.u32 s3, $0x1;
	_ =	swait.ge [sflag:s29], $0x2000  }
0x36: {  	p0 =	sne.s32 s3, $0x1;
	[sflag:s29] =	ssyncset.done $0x0  }
.Ltmp0:
0x37: {  	s30 =	simm.s32 $0xB;
	[sflag:s29] =	ssyncadd.s32 $0xFFFFE000;
	(pc) =	sbr.rel @!p0 .LBB2_2-.Ltmp0, $4  }
0x38: {  	_ =	swait.ge [sflag:s30], $0x2000  }
0x39: {  	[sflag:s30] =	ssyncset.done $0x0  }
0x3a: {  	s31 =	simm.s32 $0xC;
	[sflag:s30] =	ssyncadd.s32 $0xFFFFE000  }
0x3b: {  	s3 =	sadd.s32 $0xFFFFFFFF, s3;
	_ =	swait.ge [sflag:s31], $0x2000  }
.LBB2_1:
0x3c: {  	[sflag:s31] =	ssyncset.done $0x0  }
0x3d: {  	s0 =	rddreg [dreg:$0x7];
	[sflag:s31] =	ssyncadd.s32 $0xFFFFE000  }
0x3e: {  	[tilespmem:s4], [sflag:$0x1] =	stream.linear.gather [hbm4b:s0+s4], $0x80, $0x38;
	[tilespmem:$0x8200] =	vst v63  }
0x3f: {  	s13 =	rddreg [dreg:$0x8]  }
0x40: {  	[tilespmem:s5], [sflag:$0x2] =	stream.linear.gather [hbm4b:s13+s4], $0x80, $0x38;
	[tilespmem:$0x8200] =	vst v63  }
0x41: {  	_ =	swait.ge [sflag:s6], $0x80  }
0x42: {  	[sflag:s6] =	ssyncset.done $0x0  }
0x43: {  	[sflag:s6] =	ssyncadd.s32 $0xFFFFFF80  }
0x44: {  	[tilespmem:s7], [sflag:$0x3] =	stream.indirect.gather [hbm4b:s2+s5], $0x1, s4, s5, $0xb8;
	[tilespmem:$0x8200] =	vst v63  }
0x45: {  	_ =	swait.ge [sflag:s8], $0x80  }
0x46: {  	[sflag:s8] =	ssyncset.done $0x0  }
0x47: {  	[sflag:s8] =	ssyncadd.s32 $0xFFFFFF80  }
0x48: {  	[tilespmem:s9], [sflag:$0x4] =	stream.indirect.gather [hbm4b:s2+s5], $0x1, s5, s5, $0xb8;
	[tilespmem:$0x8200] =	vst v63  }
0x49: {  	_ =	swait.ge [sflag:s10], $0x80  }
0x4a: {  	[sflag:s10] =	ssyncset.done $0x0  }
0x4b: {  	[sflag:s10] =	ssyncadd.s32 $0xFFFFFF80  }
0x4c: {  	[tilespmem:s12], [sflag:$0x5] =	stream.indirect.gather [hbm4b:s1+s11], $0x80, s7, s11, $0xb8;
	[tilespmem:$0x8200] =	vst v63  }
0x4d: {  	s13 =	simm.s32 $0x140  }
0x4e: {  	[tilespmem:s14], [sflag:$0x6] =	stream.indirect.gather [hbm4b:s1+s11], $0x80, s13, s11, $0xb8;
	[tilespmem:$0x8200] =	vst v63  }
0x4f: {  	_ =	swait.ge [sflag:s15], $0x80  }
0x50: {  	[sflag:s15] =	ssyncset.done $0x0  }
0x51: {  	[sflag:s15] =	ssyncadd.s32 $0xFFFFFF80  }
0x52: {  	[tilespmem:s16], [sflag:$0x7] =	stream.indirect.gather [hbm4b:s1+s11], $0x80, s9, s11, $0xb8;
	[tilespmem:$0x8200] =	vst v63  }
0x53: {  	_ = 	snop  }
0x54: {  	[tilespmem:s18], [sflag:$0x8] =	stream.indirect.gather [hbm4b:s1+s11], $0x80, s17, s11, $0xb8;
	[tilespmem:$0x8200] =	vst v63  }
0x55: {  	_ =	swait.ge [sflag:s19], $0x2000  }
0x56: {  	[sflag:s19] =	ssyncset.done $0x0  }
0x57: {  	[sflag:s19] =	ssyncadd.s32 $0xFFFFE000  }
0x58: {  	[hbm4b:s20+s4] =	stream.linear.scatter [tilespmem:s12], [sflag:$0x9], $0x2000, $0x38;
	[tilespmem:$0x8200] =	vst v63  }
0x59: {  	_ =	swait.ge [sflag:s21], $0x2000  }
0x5a: {  	[sflag:s21] =	ssyncset.done $0x0  }
0x5b: {  	[sflag:s21] =	ssyncadd.s32 $0xFFFFE000  }
0x5c: {  	[hbm4b:s22+s4] =	stream.linear.scatter [tilespmem:s14], [sflag:$0xA], $0x2000, $0x38;
	[tilespmem:$0x8200] =	vst v63  }
0x5d: {  	_ =	swait.ge [sflag:s23], $0x2000  }
0x5e: {  	[sflag:s23] =	ssyncset.done $0x0  }
0x5f: {  	[sflag:s23] =	ssyncadd.s32 $0xFFFFE000  }
0x60: {  	[hbm4b:s24+s4] =	stream.linear.scatter [tilespmem:s16], [sflag:$0xB], $0x2000, $0x38;
	[tilespmem:$0x8200] =	vst v63  }
0x61: {  	_ =	swait.ge [sflag:s25], $0x2000  }
0x62: {  	[sflag:s25] =	ssyncset.done $0x0  }
0x63: {  	[sflag:s25] =	ssyncadd.s32 $0xFFFFE000  }
0x64: {  	[hbm4b:s26+s4] =	stream.linear.scatter [tilespmem:s18], [sflag:$0xC], $0x2000, $0x38;
	[tilespmem:$0x8200] =	vst v63  }
0x65: {  	_ =	swait.ge [sflag:s28], $0x2000  }
0x66: {  	[sflag:s28] =	ssyncset.done $0x0  }
0x67: {  	[sflag:s28] =	ssyncadd.s32 $0xFFFFE000  }
0x68: {  	_ =	swait.ge [sflag:s29], $0x2000  }
0x69: {  	p0 =	sne.s32 s3, $0x1;
	[sflag:s29] =	ssyncset.done $0x0  }
.Ltmp1:
0x6a: {  	[sflag:s29] =	ssyncadd.s32 $0xFFFFE000;
	(pc) =	sbr.rel @p0 .LBB2_1-.Ltmp1, $4  }
0x6b: {  	_ =	swait.ge [sflag:s30], $0x2000  }
0x6c: {  	[sflag:s30] =	ssyncset.done $0x0  }
0x6d: {  	[sflag:s30] =	ssyncadd.s32 $0xFFFFE000  }
0x6e: {  	s3 =	sadd.s32 $0xFFFFFFFF, s3;
	_ =	swait.ge [sflag:s31], $0x2000  }
.LBB2_2:
0x6f: {  	[sflag:s31] =	ssyncset.done $0x0  }
0x70: {  	[sflag:s31] =	ssyncadd.s32 $0xFFFFE000  }
0x71: {  	_ =	sfence.sel $0x180000  }
0x72: {  	[bflag:$0x0] =	sbarrier.arrive $0xFFFF  }
0x73: {  	_ =	strace $0x90000047  }
0x74: {  	s0 =	stileid.u32;
	[bflag:$0x2] =	sbarrier.arrive $0xFFFF  }
0x75: {  	p0 =	sne.s32 s0, $0x0;
	s0 =	rddreg [dreg:$0x6]  }
0x76: {  	s0 =	sadd.s32 @!p0 $0x100000, s0  }
0x77: {  	[sflag:s0] =	ssyncadd.tile.s32 @!p0 $0x1;
	_ =	shalt  }
.Lfunc_end2:
_tile_overlayer_lowered:
.L_overlay_start_2:
0x78: {  	(tag) =	ssettag $0x2  }
0x79: {  	s0 =	rddreg [dreg:$0x0];
	s2 =	stileid.u32  }
0x7a: {  	s1 =	rddreg [dreg:$0x1];
	p0 =	sne.s32 s2, $0x0  }
0x7b: {  	s3 =	rddreg [dreg:$0x2];
	[bflag:$0x3] =	sbarrier.arrive $0xFFFF;
	s2 =	simm.s32 @!p0 $0x1C0D  }
0x7c: {  	[timem:s3], [sflag:s2] =	dma.local @!p0 [hbm:s0], s1  }
0x7d: {  	s0 =	simm.s32 @!p0 $0xD  }
0x7e: {  	_ =	swait.ge @!p0 [sflag:s0], s1  }
0x7f: {  	s1 =	ssub.s32 @!p0 $0x0, s1;
	[sflag:s0] =	ssyncset.done @!p0 $0x0  }
0x80: {  	[sflag:s0] =	ssyncadd.s32 @!p0 s1  }
0x81: {  	[bflag:$0x3] =	sbarrier.arrive $0xFFFF  }
0x82: {  	_ =	shalt  }

</sc_bundles>
